<compile_context>
chip_gen: v7x
topology: tpu7x:2x2x1
jax: 0.10.2.dev20260603
libtpu: 0.0.44.dev20260713+nightly
codegen_flags: <defaults>
</compile_context>

<pallas_src>
import jax
import jax.numpy as jnp
from jax import lax
from jax.experimental import pallas as pl
from jax.experimental.pallas import tpu as pltpu
from jax.experimental.pallas import tpu_sc as plsc

VOCAB = 100001
EMBED_DIM = 32
BATCH = 16384
H1 = 64
H2 = 32

_INFO = plsc.get_sparse_core_info()
_NC, _NS = _INFO.num_cores, _INFO.num_subcores
_NW = _NC * _NS
_CHUNK = 2048


def _gatherT_body(
    tableT_hbm, idx_hbm, outT_hbm, row_v, idx_v, out0_v, out1_v, sem, osem
):
    c = lax.axis_index("s") * _NC + lax.axis_index("c")
    pltpu.async_copy(tableT_hbm.at[c], row_v, sem)
    pltpu.sync_copy(idx_hbm, idx_v)
    pltpu.make_async_copy(tableT_hbm.at[c], row_v, sem).wait()

    def step(t, _):
        for half, out_v in ((0, out0_v), (1, out1_v)):
            base = (2 * t + half) * _CHUNK

            @plsc.parallel_loop(0, _CHUNK // 16, unroll=16)
            def gather_grp(g):
                ids = idx_v[pl.ds(base + g * 16, 16)]
                vals = plsc.load_gather(row_v, [ids])
                out_v[pl.ds(g * 16, 16)] = vals

            @pl.when(t >= 1)
            def _drain():
                pltpu.make_async_copy(
                    out_v, outT_hbm.at[c, pl.ds(base, _CHUNK)], osem
                ).wait()

            pltpu.async_copy(out_v, outT_hbm.at[c, pl.ds(base, _CHUNK)], osem)
        return _

    lax.fori_loop(0, BATCH // (2 * _CHUNK), step, 0)
    pltpu.make_async_copy(out0_v, outT_hbm.at[c, pl.ds(0, _CHUNK)], osem).wait()
    pltpu.make_async_copy(out1_v, outT_hbm.at[c, pl.ds(0, _CHUNK)], osem).wait()


_sc_gatherT = pl.kernel(
    _gatherT_body,
    out_type=jax.ShapeDtypeStruct((EMBED_DIM, BATCH), jnp.float32),
    mesh=plsc.VectorSubcoreMesh(core_axis_name="c", subcore_axis_name="s"),
    scratch_types=[
        pltpu.VMEM((VOCAB,), jnp.float32),
        pltpu.VMEM((BATCH,), jnp.int32),
        pltpu.VMEM((_CHUNK,), jnp.float32),
        pltpu.VMEM((_CHUNK,), jnp.float32),
        pltpu.SemaphoreType.DMA,
        pltpu.SemaphoreType.DMA,
    ],
    compiler_params=pltpu.CompilerParams(needs_layout_passes=False),
)


_MLP_BLOCK = 8192


def _mlpT_body(x_ref, w1t_ref, b1_ref, w2t_ref, b2_ref, o_ref):
    h = jnp.maximum(
        jax.lax.dot_general(w1t_ref[...], x_ref[...], (((1,), (0,)), ((), ())),
                            preferred_element_type=jnp.float32)
        + b1_ref[...][:, None],
        0.0,
    )
    o_ref[...] = (
        jax.lax.dot_general(w2t_ref[...], h, (((1,), (0,)), ((), ())),
                            preferred_element_type=jnp.float32)
        + b2_ref[...][:, None]
    )


def _tc_mlpT(xT, w1t, b1, w2t, b2):
    grid = (BATCH // _MLP_BLOCK,)
    return pl.pallas_call(
        _mlpT_body,
        grid=grid,
        in_specs=[
            pl.BlockSpec((EMBED_DIM, _MLP_BLOCK), lambda i: (0, i)),
            pl.BlockSpec((H1, EMBED_DIM), lambda i: (0, 0)),
            pl.BlockSpec((H1,), lambda i: (0,)),
            pl.BlockSpec((H2, H1), lambda i: (0, 0)),
            pl.BlockSpec((H2,), lambda i: (0,)),
        ],
        out_specs=pl.BlockSpec((H2, _MLP_BLOCK), lambda i: (0, i)),
        out_shape=jax.ShapeDtypeStruct((H2, BATCH), jnp.float32),
    )(xT, w1t, b1, w2t, b2)


@jax.jit
def kernel(user_id, emb_table, W1, b1, W2, b2):
    gatheredT = _sc_gatherT(emb_table.T, user_id)
    outT = _tc_mlpT(gatheredT, W1.T, b1, W2.T, b2)
    return outT.T

# --- scband reference (transcript-rebuilt; emitter-appended) ---
"""Pipeline reference for scband-query-model-79886391706277 (READ-ONLY COPY).

The authoritative reference and input builder live on the scoring server;
editing this copy changes nothing except your own understanding.
"""

import jax, jax.numpy as jnp
import numpy as np

VOCAB = 100001  # len(unique_user_ids) + 1
EMBED_DIM = 32
BATCH = 16384
LAYER_SIZES = [64, 32]


def setup_inputs(seed: int = 0) -> dict:
    key = jax.random.key(seed)
    k_idx, k_tab, k_w1, k_b1, k_w2, k_b2 = jax.random.split(key, 6)
    user_id = jax.random.randint(k_idx, (BATCH,), 0, VOCAB, dtype=jnp.int64 if jax.config.jax_enable_x64 else jnp.int32).astype(jnp.int32)
    emb_table = jax.random.normal(k_tab, (VOCAB, EMBED_DIM), dtype=jnp.float32) * 0.05
    # Dense layer 1: 32 -> 64 (relu), Dense layer 2: 64 -> 32 (linear)
    W1 = jax.random.normal(k_w1, (EMBED_DIM, LAYER_SIZES[0]), dtype=jnp.float32) * (1.0 / np.sqrt(EMBED_DIM))
    b1 = jnp.zeros((LAYER_SIZES[0],), dtype=jnp.float32)
    W2 = jax.random.normal(k_w2, (LAYER_SIZES[0], LAYER_SIZES[1]), dtype=jnp.float32) * (1.0 / np.sqrt(LAYER_SIZES[0]))
    b2 = jnp.zeros((LAYER_SIZES[1],), dtype=jnp.float32)
    return {"user_id": user_id, "emb_table": emb_table, "W1": W1, "b1": b1, "W2": W2, "b2": b2}


def reference(user_id, emb_table, W1, b1, W2, b2):
    # UserModel: StringLookup (indices assumed pre-looked-up) + Embedding, concat (no-op single feature)
    feature_embedding = jnp.take(emb_table, user_id, axis=0)  # [B, 32]
    # QueryModel dense tower
    h = jnp.maximum(feature_embedding @ W1 + b1, 0.0)  # relu
    out = h @ W2 + b2  # final linear layer
    return out

if __name__ == "__main__":
    import jax
    _d = setup_inputs()
    print(jax.jit(kernel)(*tuple(_d.values())))

</pallas_src>

<mosaic_0001>
#map = affine_map<(d0, d1) -> (0, 0)>
#map1 = affine_map<(d0, d1) -> (0)>
module attributes {stable_mosaic.version = 14 : i64} {
  func.func @_gatherT_body(%arg0: i32, %arg1: i32, %arg2: memref<32x100001xf32, #tpu.memory_space<hbm>>, %arg3: memref<16384xi32, #tpu.memory_space<hbm>>, %arg4: memref<32x16384xf32, #tpu.memory_space<hbm>>, %arg5: memref<100001xf32, #tpu.memory_space<vmem>>, %arg6: memref<16384xi32, #tpu.memory_space<vmem>>, %arg7: memref<2048xf32, #tpu.memory_space<vmem>>, %arg8: memref<2048xf32, #tpu.memory_space<vmem>>, %arg9: memref<!tpu.dma_semaphore, #tpu.memory_space<semaphore_mem>>, %arg10: memref<!tpu.dma_semaphore, #tpu.memory_space<semaphore_mem>>) attributes {dimension_semantics = [#tpu.dimension_semantics<core_parallel>, #tpu.dimension_semantics<subcore_parallel>], iteration_bounds = array<i64: 2, 16>, scalar_prefetch = 0 : i64, scratch_operands = 6 : i64, tpu.core_type = #tpu.core_type<sc_vector_subcore>, window_params = [{transform_indices = #map}, {transform_indices = #map1}, {transform_indices = #map}]} {
    %mul3A = arith.constant 2 : i32
    %mul3A_0 = arith.muli %arg1, %mul3A : i32
    %add3A = arith.addi %mul3A_0, %arg0 : i32
    %dma_start3A = arith.constant 0 : i32
    %dma_start3A_1 = tpu.memref_slice %arg2[%add3A, %dma_start3A] : memref<32x100001xf32, #tpu.memory_space<hbm>> -> memref<1x100001xf32, #tpu.memory_space<hbm>>
    %dma_start3A_2 = tpu.memref_squeeze %dma_start3A_1 : memref<1x100001xf32, #tpu.memory_space<hbm>> -> memref<100001xf32, #tpu.memory_space<hbm>>
    %dma_start3A_3 = arith.constant 0 : i32
    %dma_start3A_4 = tpu.memref_slice %arg2[%add3A, %dma_start3A_3] : memref<32x100001xf32, #tpu.memory_space<hbm>> -> memref<1x100001xf32, #tpu.memory_space<hbm>>
    %dma_start3A_5 = tpu.memref_squeeze %dma_start3A_4 : memref<1x100001xf32, #tpu.memory_space<hbm>> -> memref<100001xf32, #tpu.memory_space<hbm>>
    tpu.enqueue_dma source(%dma_start3A_5 : memref<100001xf32, #tpu.memory_space<hbm>>) target(%arg5 : memref<100001xf32, #tpu.memory_space<vmem>>) target_semaphore(%arg9 : memref<!tpu.dma_semaphore, #tpu.memory_space<semaphore_mem>>)
    "tpu.region"() ({
      %run_scoped3A = tpu.sem_alloc : memref<!tpu.dma_semaphore, #tpu.memory_space<semaphore_mem>>
      tpu.enqueue_dma source(%arg3 : memref<16384xi32, #tpu.memory_space<hbm>>) target(%arg6 : memref<16384xi32, #tpu.memory_space<vmem>>) target_semaphore(%run_scoped3A : memref<!tpu.dma_semaphore, #tpu.memory_space<semaphore_mem>>)
      tpu.wait_dma2 semaphore(%run_scoped3A : memref<!tpu.dma_semaphore, #tpu.memory_space<semaphore_mem>>) src(%arg3 : memref<16384xi32, #tpu.memory_space<hbm>>) dst(%arg6 : memref<16384xi32, #tpu.memory_space<vmem>>)
      tpu.yield
    }) : () -> ()
    %dma_wait3A = arith.constant 0 : i32
    %dma_wait3A_6 = tpu.memref_slice %arg2[%add3A, %dma_wait3A] : memref<32x100001xf32, #tpu.memory_space<hbm>> -> memref<1x100001xf32, #tpu.memory_space<hbm>>
    %dma_wait3A_7 = tpu.memref_squeeze %dma_wait3A_6 : memref<1x100001xf32, #tpu.memory_space<hbm>> -> memref<100001xf32, #tpu.memory_space<hbm>>
    %dma_wait3A_8 = arith.constant 0 : i32
    %dma_wait3A_9 = tpu.memref_slice %arg2[%add3A, %dma_wait3A_8] : memref<32x100001xf32, #tpu.memory_space<hbm>> -> memref<1x100001xf32, #tpu.memory_space<hbm>>
    %dma_wait3A_10 = tpu.memref_squeeze %dma_wait3A_9 : memref<1x100001xf32, #tpu.memory_space<hbm>> -> memref<100001xf32, #tpu.memory_space<hbm>>
    tpu.wait_dma2 semaphore(%arg9 : memref<!tpu.dma_semaphore, #tpu.memory_space<semaphore_mem>>) src(%dma_wait3A_10 : memref<100001xf32, #tpu.memory_space<hbm>>) dst(%arg5 : memref<100001xf32, #tpu.memory_space<vmem>>)
    %scan3A = arith.constant 0 : i32
    %scan3A_11 = arith.constant 0 : i32
    %scan3A_12 = arith.constant 4 : i32
    %scan3A_13 = arith.addi %scan3A_11, %scan3A_12 : i32
    %scan3A_14 = arith.constant 1 : i32
    scf.for %scan3A_28 = %scan3A_11 to %scan3A_13 step %scan3A_14  : i32 {
      %mul3A_29 = arith.constant 2 : i32
      %mul3A_30 = arith.muli %mul3A_29, %scan3A_28 : i32
      %add3A_31 = arith.constant 0 : i32
      %add3A_32 = arith.addi %mul3A_30, %add3A_31 : i32
      %mul3A_33 = arith.constant 2048 : i32
      %mul3A_34 = arith.muli %add3A_32, %mul3A_33 : i32
      %parallel_loop3A = arith.constant 0 : i32
      %parallel_loop3A_35 = arith.constant 128 : i32
      %parallel_loop3A_36 = arith.constant 1 : i32
      scf.for %parallel_loop3A_61 = %parallel_loop3A to %parallel_loop3A_35 step %parallel_loop3A_36  : i32 {
        %parallel_loop3A_62 = arith.constant 16 : i32
        %parallel_loop3A_63 = arith.muli %parallel_loop3A_61, %parallel_loop3A_62 : i32
        %parallel_loop3A_64 = arith.addi %mul3A_34, %parallel_loop3A_63 : i32
        %parallel_loop3A_65 = arith.index_cast %parallel_loop3A_64 : i32 to index
        %parallel_loop3A_66 = tpu.vector_load %arg6[%parallel_loop3A_65] {strides = array<i32>} : memref<16384xi32, #tpu.memory_space<vmem>>, vector<16xi32>,
        %parallel_loop3A_67 = tpu.vector_load_idx %arg5[%parallel_loop3A_66] : memref<100001xf32, #tpu.memory_space<vmem>>[vector<16xi32>], vector<16xf32>,
        %parallel_loop3A_68 = arith.constant 16 : i32
        %parallel_loop3A_69 = arith.muli %parallel_loop3A_61, %parallel_loop3A_68 : i32
        %parallel_loop3A_70 = arith.index_cast %parallel_loop3A_69 : i32 to index
        %parallel_loop3A_71 = tpu.vector_load %arg7[%parallel_loop3A_70] {strides = array<i32>} : memref<2048xf32, #tpu.memory_space<vmem>>, vector<16xf32>,
        tpu.vector_store %arg7[%parallel_loop3A_70], %parallel_loop3A_67 {strides = array<i32>} : memref<2048xf32, #tpu.memory_space<vmem>>, vector<16xf32>,
      } {sc.loop_unroll_factor = 16 : i64, sc.parallel_access}
      %ge3A = arith.constant 1 : i32
      %ge3A_37 = arith.cmpi sge, %scan3A_28, %ge3A : i32
      %convert_element_type3A = arith.extui %ge3A_37 : i1 to i32
      %cond3A = arith.constant 0 : i32
      %cond3A_38 = arith.cmpi ne, %convert_element_type3A, %cond3A : i32
      scf.if %cond3A_38 {
        %dma_wait3A_61 = tpu.memref_slice %arg4[%add3A, %mul3A_34] : memref<32x16384xf32, #tpu.memory_space<hbm>> -> memref<1x2048xf32, #tpu.memory_space<hbm>>
        %dma_wait3A_62 = tpu.memref_squeeze %dma_wait3A_61 : memref<1x2048xf32, #tpu.memory_space<hbm>> -> memref<2048xf32, #tpu.memory_space<hbm>>
        %dma_wait3A_63 = tpu.memref_slice %arg4[%add3A, %mul3A_34] : memref<32x16384xf32, #tpu.memory_space<hbm>> -> memref<1x2048xf32, #tpu.memory_space<hbm>>
        %dma_wait3A_64 = tpu.memref_squeeze %dma_wait3A_63 : memref<1x2048xf32, #tpu.memory_space<hbm>> -> memref<2048xf32, #tpu.memory_space<hbm>>
        tpu.wait_dma2 semaphore(%arg10 : memref<!tpu.dma_semaphore, #tpu.memory_space<semaphore_mem>>) src(%arg7 : memref<2048xf32, #tpu.memory_space<vmem>>) dst(%dma_wait3A_64 : memref<2048xf32, #tpu.memory_space<hbm>>)
      } else {
      }
      %dma_start3A_39 = tpu.memref_slice %arg4[%add3A, %mul3A_34] : memref<32x16384xf32, #tpu.memory_space<hbm>> -> memref<1x2048xf32, #tpu.memory_space<hbm>>
      %dma_start3A_40 = tpu.memref_squeeze %dma_start3A_39 : memref<1x2048xf32, #tpu.memory_space<hbm>> -> memref<2048xf32, #tpu.memory_space<hbm>>
      %dma_start3A_41 = tpu.memref_slice %arg4[%add3A, %mul3A_34] : memref<32x16384xf32, #tpu.memory_space<hbm>> -> memref<1x2048xf32, #tpu.memory_space<hbm>>
      %dma_start3A_42 = tpu.memref_squeeze %dma_start3A_41 : memref<1x2048xf32, #tpu.memory_space<hbm>> -> memref<2048xf32, #tpu.memory_space<hbm>>
      tpu.enqueue_dma source(%arg7 : memref<2048xf32, #tpu.memory_space<vmem>>) target(%dma_start3A_42 : memref<2048xf32, #tpu.memory_space<hbm>>) target_semaphore(%arg10 : memref<!tpu.dma_semaphore, #tpu.memory_space<semaphore_mem>>)
      %mul3A_43 = arith.constant 2 : i32
      %mul3A_44 = arith.muli %mul3A_43, %scan3A_28 : i32
      %add3A_45 = arith.constant 1 : i32
      %add3A_46 = arith.addi %mul3A_44, %add3A_45 : i32
      %mul3A_47 = arith.constant 2048 : i32
      %mul3A_48 = arith.muli %add3A_46, %mul3A_47 : i32
      %parallel_loop3A_49 = arith.constant 0 : i32
      %parallel_loop3A_50 = arith.constant 128 : i32
      %parallel_loop3A_51 = arith.constant 1 : i32
      scf.for %parallel_loop3A_61 = %parallel_loop3A_49 to %parallel_loop3A_50 step %parallel_loop3A_51  : i32 {
        %parallel_loop3A_62 = arith.constant 16 : i32
        %parallel_loop3A_63 = arith.muli %parallel_loop3A_61, %parallel_loop3A_62 : i32
        %parallel_loop3A_64 = arith.addi %mul3A_48, %parallel_loop3A_63 : i32
        %parallel_loop3A_65 = arith.index_cast %parallel_loop3A_64 : i32 to index
        %parallel_loop3A_66 = tpu.vector_load %arg6[%parallel_loop3A_65] {strides = array<i32>} : memref<16384xi32, #tpu.memory_space<vmem>>, vector<16xi32>,
        %parallel_loop3A_67 = tpu.vector_load_idx %arg5[%parallel_loop3A_66] : memref<100001xf32, #tpu.memory_space<vmem>>[vector<16xi32>], vector<16xf32>,
        %parallel_loop3A_68 = arith.constant 16 : i32
        %parallel_loop3A_69 = arith.muli %parallel_loop3A_61, %parallel_loop3A_68 : i32
        %parallel_loop3A_70 = arith.index_cast %parallel_loop3A_69 : i32 to index
        %parallel_loop3A_71 = tpu.vector_load %arg8[%parallel_loop3A_70] {strides = array<i32>} : memref<2048xf32, #tpu.memory_space<vmem>>, vector<16xf32>,
        tpu.vector_store %arg8[%parallel_loop3A_70], %parallel_loop3A_67 {strides = array<i32>} : memref<2048xf32, #tpu.memory_space<vmem>>, vector<16xf32>,
      } {sc.loop_unroll_factor = 16 : i64, sc.parallel_access}
      %ge3A_52 = arith.constant 1 : i32
      %ge3A_53 = arith.cmpi sge, %scan3A_28, %ge3A_52 : i32
      %convert_element_type3A_54 = arith.extui %ge3A_53 : i1 to i32
      %cond3A_55 = arith.constant 0 : i32
      %cond3A_56 = arith.cmpi ne, %convert_element_type3A_54, %cond3A_55 : i32
      scf.if %cond3A_56 {
        %dma_wait3A_61 = tpu.memref_slice %arg4[%add3A, %mul3A_48] : memref<32x16384xf32, #tpu.memory_space<hbm>> -> memref<1x2048xf32, #tpu.memory_space<hbm>>
        %dma_wait3A_62 = tpu.memref_squeeze %dma_wait3A_61 : memref<1x2048xf32, #tpu.memory_space<hbm>> -> memref<2048xf32, #tpu.memory_space<hbm>>
        %dma_wait3A_63 = tpu.memref_slice %arg4[%add3A, %mul3A_48] : memref<32x16384xf32, #tpu.memory_space<hbm>> -> memref<1x2048xf32, #tpu.memory_space<hbm>>
        %dma_wait3A_64 = tpu.memref_squeeze %dma_wait3A_63 : memref<1x2048xf32, #tpu.memory_space<hbm>> -> memref<2048xf32, #tpu.memory_space<hbm>>
        tpu.wait_dma2 semaphore(%arg10 : memref<!tpu.dma_semaphore, #tpu.memory_space<semaphore_mem>>) src(%arg8 : memref<2048xf32, #tpu.memory_space<vmem>>) dst(%dma_wait3A_64 : memref<2048xf32, #tpu.memory_space<hbm>>)
      } else {
      }
      %dma_start3A_57 = tpu.memref_slice %arg4[%add3A, %mul3A_48] : memref<32x16384xf32, #tpu.memory_space<hbm>> -> memref<1x2048xf32, #tpu.memory_space<hbm>>
      %dma_start3A_58 = tpu.memref_squeeze %dma_start3A_57 : memref<1x2048xf32, #tpu.memory_space<hbm>> -> memref<2048xf32, #tpu.memory_space<hbm>>
      %dma_start3A_59 = tpu.memref_slice %arg4[%add3A, %mul3A_48] : memref<32x16384xf32, #tpu.memory_space<hbm>> -> memref<1x2048xf32, #tpu.memory_space<hbm>>
      %dma_start3A_60 = tpu.memref_squeeze %dma_start3A_59 : memref<1x2048xf32, #tpu.memory_space<hbm>> -> memref<2048xf32, #tpu.memory_space<hbm>>
      tpu.enqueue_dma source(%arg8 : memref<2048xf32, #tpu.memory_space<vmem>>) target(%dma_start3A_60 : memref<2048xf32, #tpu.memory_space<hbm>>) target_semaphore(%arg10 : memref<!tpu.dma_semaphore, #tpu.memory_space<semaphore_mem>>)
    }
    %scan3A_15 = arith.constant 4 : i32
    %dma_wait3A_16 = arith.constant 0 : i32
    %dma_wait3A_17 = tpu.memref_slice %arg4[%add3A, %dma_wait3A_16] : memref<32x16384xf32, #tpu.memory_space<hbm>> -> memref<1x2048xf32, #tpu.memory_space<hbm>>
    %dma_wait3A_18 = tpu.memref_squeeze %dma_wait3A_17 : memref<1x2048xf32, #tpu.memory_space<hbm>> -> memref<2048xf32, #tpu.memory_space<hbm>>
    %dma_wait3A_19 = arith.constant 0 : i32
    %dma_wait3A_20 = tpu.memref_slice %arg4[%add3A, %dma_wait3A_19] : memref<32x16384xf32, #tpu.memory_space<hbm>> -> memref<1x2048xf32, #tpu.memory_space<hbm>>
    %dma_wait3A_21 = tpu.memref_squeeze %dma_wait3A_20 : memref<1x2048xf32, #tpu.memory_space<hbm>> -> memref<2048xf32, #tpu.memory_space<hbm>>
    tpu.wait_dma2 semaphore(%arg10 : memref<!tpu.dma_semaphore, #tpu.memory_space<semaphore_mem>>) src(%arg7 : memref<2048xf32, #tpu.memory_space<vmem>>) dst(%dma_wait3A_21 : memref<2048xf32, #tpu.memory_space<hbm>>)
    %dma_wait3A_22 = arith.constant 0 : i32
    %dma_wait3A_23 = tpu.memref_slice %arg4[%add3A, %dma_wait3A_22] : memref<32x16384xf32, #tpu.memory_space<hbm>> -> memref<1x2048xf32, #tpu.memory_space<hbm>>
    %dma_wait3A_24 = tpu.memref_squeeze %dma_wait3A_23 : memref<1x2048xf32, #tpu.memory_space<hbm>> -> memref<2048xf32, #tpu.memory_space<hbm>>
    %dma_wait3A_25 = arith.constant 0 : i32
    %dma_wait3A_26 = tpu.memref_slice %arg4[%add3A, %dma_wait3A_25] : memref<32x16384xf32, #tpu.memory_space<hbm>> -> memref<1x2048xf32, #tpu.memory_space<hbm>>
    %dma_wait3A_27 = tpu.memref_squeeze %dma_wait3A_26 : memref<1x2048xf32, #tpu.memory_space<hbm>> -> memref<2048xf32, #tpu.memory_space<hbm>>
    tpu.wait_dma2 semaphore(%arg10 : memref<!tpu.dma_semaphore, #tpu.memory_space<semaphore_mem>>) src(%arg8 : memref<2048xf32, #tpu.memory_space<vmem>>) dst(%dma_wait3A_27 : memref<2048xf32, #tpu.memory_space<hbm>>)
    return
  }
}

module attributes {stable_mosaic.version = 14 : i64} {
  func.func @_mlpT_body(%arg0: i32, %arg1: memref<32x8192xf32, #tpu.memory_space<vmem>>, %arg2: memref<64x32xf32, #tpu.memory_space<vmem>>, %arg3: memref<64xf32, #tpu.memory_space<vmem>>, %arg4: memref<32x64xf32, #tpu.memory_space<vmem>>, %arg5: memref<32xf32, #tpu.memory_space<vmem>>, %arg6: memref<32x8192xf32, #tpu.memory_space<vmem>>) attributes {dimension_semantics = [#tpu.dimension_semantics<arbitrary>], iteration_bounds = array<i64: 2>, scalar_prefetch = 0 : i64, scratch_operands = 0 : i64, tpu.core_type = #tpu.core_type<tc>, window_params = [{transform_indices = @transform_0, window_bounds = array<i64: 32, 8192>}, {pipeline_mode = #tpu.pipeline_mode<synchronous>, transform_indices = @transform_1, window_bounds = array<i64: 64, 32>}, {pipeline_mode = #tpu.pipeline_mode<synchronous>, transform_indices = @transform_2, window_bounds = array<i64: 64>}, {pipeline_mode = #tpu.pipeline_mode<synchronous>, transform_indices = @transform_3, window_bounds = array<i64: 32, 64>}, {pipeline_mode = #tpu.pipeline_mode<synchronous>, transform_indices = @transform_4, window_bounds = array<i64: 32>}, {transform_indices = @transform_5, window_bounds = array<i64: 32, 8192>}]} {
    %get3A = arith.constant 0 : index
    %get3A_0 = arith.constant 0 : index
    %get3A_1 = vector.load %arg2[%get3A, %get3A_0] : memref<64x32xf32, #tpu.memory_space<vmem>>, vector<64x32xf32>
    %get3A_2 = arith.constant 0 : index
    %get3A_3 = arith.constant 0 : index
    %get3A_4 = vector.load %arg1[%get3A_2, %get3A_3] : memref<32x8192xf32, #tpu.memory_space<vmem>>, vector<32x8192xf32>
    %dot_general3A = arith.constant dense<0.000000e+00> : vector<64x8192xf32>
    %dot_general3A_5 = tpu.matmul %get3A_1, %get3A_4, %dot_general3A {dimension_numbers = #tpu.dot_dimension_numbers<[1], [0], [0], [1], [0, 0, 1, 1], [], []>, transpose_lhs_hint = false} : vector<64x32xf32>, vector<32x8192xf32>, vector<64x8192xf32> -> vector<64x8192xf32>
    %get3A_6 = arith.constant 0 : index
    %get3A_7 = vector.load %arg3[%get3A_6] : memref<64xf32, #tpu.memory_space<vmem>>, vector<64xf32>
    %broadcast_in_dim3A = vector.shape_cast %get3A_7 : vector<64xf32> to vector<64x1xf32>
    %add3A = vector.broadcast %broadcast_in_dim3A : vector<64x1xf32> to vector<64x8192xf32>
    %add3A_8 = arith.addf %dot_general3A_5, %add3A : vector<64x8192xf32>
    %max3A = arith.constant 0.000000e+00 : f32
    %max3A_9 = vector.broadcast %max3A : f32 to vector<64x8192xf32>
    %max3A_10 = arith.maximumf %add3A_8, %max3A_9 : vector<64x8192xf32>
    %get3A_11 = arith.constant 0 : index
    %get3A_12 = arith.constant 0 : index
    %get3A_13 = vector.load %arg4[%get3A_11, %get3A_12] : memref<32x64xf32, #tpu.memory_space<vmem>>, vector<32x64xf32>
    %dot_general3A_14 = arith.constant dense<0.000000e+00> : vector<32x8192xf32>
    %dot_general3A_15 = tpu.matmul %get3A_13, %max3A_10, %dot_general3A_14 {dimension_numbers = #tpu.dot_dimension_numbers<[1], [0], [0], [1], [0, 0, 1, 1], [], []>, transpose_lhs_hint = false} : vector<32x64xf32>, vector<64x8192xf32>, vector<32x8192xf32> -> vector<32x8192xf32>
    %get3A_16 = arith.constant 0 : index
    %get3A_17 = vector.load %arg5[%get3A_16] : memref<32xf32, #tpu.memory_space<vmem>>, vector<32xf32>
    %broadcast_in_dim3A_18 = vector.shape_cast %get3A_17 : vector<32xf32> to vector<32x1xf32>
    %add3A_19 = vector.broadcast %broadcast_in_dim3A_18 : vector<32x1xf32> to vector<32x8192xf32>
    %add3A_20 = arith.addf %dot_general3A_15, %add3A_19 : vector<32x8192xf32>
    %swap3A = arith.constant 0 : index
    %swap3A_21 = arith.constant 0 : index
    %swap3A_22 = vector.load %arg6[%swap3A, %swap3A_21] : memref<32x8192xf32, #tpu.memory_space<vmem>>, vector<32x8192xf32>
    tpu.vector_store %arg6[%swap3A, %swap3A_21], %add3A_20 {strides = array<i32>} : memref<32x8192xf32, #tpu.memory_space<vmem>>, vector<32x8192xf32>,
    return
  }
  func.func @transform_0(%arg0: i32) -> (i32, i32) {
    %c0_i32 = arith.constant 0 : i32
    %c0_i32_0 = arith.constant 0 : i32
    return %c0_i32, %arg0 : i32, i32
  }
  func.func @transform_1(%arg0: i32) -> (i32, i32) {
    %c0_i32 = arith.constant 0 : i32
    %c0_i32_0 = arith.constant 0 : i32
    %c0_i32_1 = arith.constant 0 : i32
    return %c0_i32, %c0_i32_0 : i32, i32
  }
  func.func @transform_2(%arg0: i32) -> i32 {
    %c0_i32 = arith.constant 0 : i32
    %c0_i32_0 = arith.constant 0 : i32
    return %c0_i32 : i32
  }
  func.func @transform_3(%arg0: i32) -> (i32, i32) {
    %c0_i32 = arith.constant 0 : i32
    %c0_i32_0 = arith.constant 0 : i32
    %c0_i32_1 = arith.constant 0 : i32
    return %c0_i32, %c0_i32_0 : i32, i32
  }
  func.func @transform_4(%arg0: i32) -> i32 {
    %c0_i32 = arith.constant 0 : i32
    %c0_i32_0 = arith.constant 0 : i32
    return %c0_i32 : i32
  }
  func.func @transform_5(%arg0: i32) -> (i32, i32) {
    %c0_i32 = arith.constant 0 : i32
    %c0_i32_0 = arith.constant 0 : i32
    return %c0_i32, %arg0 : i32, i32
  }
}

</mosaic_0001>

<sc_bundles>
// kernel: kernel.4.cloned.1.call-start
scs
__scs_entry_jumppad:
0x0: {  	(pc) =	sbr.rel $0x88, $3  }
0x1: {  	(tag) =	ssettag $0x0;
	lr =	simm.s32 $0x1  }
0x2: {  	[smem:$0x3F9B] =	sst lr;
	_ =	strace $0xD0000000  }
0x3: {  	_ = 	snop  }
0x4: {  	_ = 	snop  }
0x5: {  	_ = 	snop  }
0x6: {  	_ = 	snop  }
0x7: {  	_ = 	snop  }
__scs_overlays_trampoline_lowered:
0x8: {  	[smem:$0x3FAA] =	sst s0  }
0x9: {  	[smem:$0x3FAB] =	sst s1  }
0xa: {  	[smem:$0x3FAC] =	sst s2  }
0xb: {  	[smem:$0x3FAD] =	sst s3  }
0xc: {  	[smem:$0x3FAE] =	sst s4  }
0xd: {  	[smem:$0x3FAF] =	sst s5  }
0xe: {  	[smem:$0x3FB0] =	sst s6  }
0xf: {  	[smem:$0x3FB1] =	sst s7  }
0x10: {  	[smem:$0x3FB2] =	sst s8  }
0x11: {  	[smem:$0x3FB3] =	sst s9;
	s0 =	simm.s32 @!p0 $0x0  }
0x12: {  	s1 =	sld [smem:$0x3F99];
	s0 =	simm.s32 @p0 $0x1  }
0x13: {  	[smem:$0x3FB4] =	sst s0;
	s0 =	simm.s32 @!p1 $0x0  }
0x14: {  	s2 =	sld [smem:$0x3F98];
	s0 =	simm.s32 @p1 $0x1  }
0x15: {  	[smem:$0x3FB5] =	sst s0;
	s0 =	simm.s32 @!p2 $0x0  }
0x16: {  	s3 =	sld [smem:$0x3FDB];
	s0 =	simm.s32 @p2 $0x1  }
0x17: {  	s4 =	simm.s32 $0x1BF5;
	[smem:$0x3FB7] =	sst s0  }
0x18: {  	s0 =	sld [smem:$0x3F9A];
	_ =	swait.ge [sflag:s4], $0x0  }
0x19: {  	s7 =	sld [smem:$0x3F9B]  }
0x1a: {  	s8 =	sadd.s32 $0xFFFFE003, lr  }
0x1b: {  	s9 =	sadd.s32 $0xFFFFFEF7, lr;
	s5 =	simm.s32 $0xFFFFFFFF;
	p2 =	slt.u32 s8, $0xFFFFF086  }
0x1c: {  	p1 =	slt.u32 s9, $0xF7A;
	s5 =	simm.s32 @!p2 $0x0  }
0x1d: {  	s5 =	simm.s32 @p1 $0x1;
	p0 =	seq.s32 s7, s2  }
0x1e: {  	s7 =	smul.u32 @!p0 $0xF7A, s2;
	p2 =	seq.s32 @!p0 s5, $0x0  }
0x1f: {  	s9 =	smul.u32 $0xF7A, s1;
	s8 =	simm.s32 @!p0 $0x1BF5;
	p2 =	por !p2, p0  }
0x20: {  	[sflag:s8] =	ssyncset.s32 @!p0 $0xFFFFF086;
	s6 =	sadd.s32 @!p0 s3, s7;
	s7 =	simm.s32 @!p0 $0x108  }
0x21: {  	s3 =	sadd.s32 s3, s9;
	s6 =	sadd.s32 @!p0 $0x88, s6;
	s7 =	simm.s32 @p2 $0x1082  }
0x22: {  	[simem:s7], [sflag:s8] =	dma.local @!p0 [hbm:s6], $0xF7A  }
0x23: {  	s9 =	sor.u32 $0xD0000000, s2;
	s6 =	simm.s32 $0x108;
	_ =	swait.ge @!p0 [sflag:s8], $0x0  }
0x24: {  	s3 =	sadd.s32 $0x88, s3;
	s6 =	simm.s32 @!p1 $0x1082;
	[sflag:s4] =	ssyncset.s32 $0xFFFFF086  }
0x25: {  	[simem:s6], [sflag:s4] =	dma.local [hbm:s3], $0xF7A  }
0x26: {  	[smem:$0x3F9B] =	sst s1;
	(tag) =	ssettag s2;
	_ =	strace s9  }
0x27: {  	s1 =	sld [smem:$0x3FAB]  }
0x28: {  	s2 =	sld [smem:$0x3FAC]  }
0x29: {  	s4 =	sld [smem:$0x3FAE]  }
0x2a: {  	p0 =	seq.s32 s5, $0x0;
	s5 =	sld [smem:$0x3FAF]  }
0x2b: {  	s6 =	sld [smem:$0x3FB0]  }
0x2c: {  	s7 =	sld [smem:$0x3FB1]  }
0x2d: {  	s3 =	simm.s32 $0x108;
	s8 =	sld [smem:$0x3FB2]  }
0x2e: {  	s3 =	simm.s32 @!p0 $0x1082;
	s9 =	sld [smem:$0x3FB3]  }
0x2f: {  	lr =	sadd.s32 s0, s3;
	s0 =	sld [smem:$0x3FAA]  }
0x30: {  	s3 =	sld [smem:$0x3FAD]  }
0x31: {  	[smem:$0x3FB6] =	sst s10  }
0x32: {  	s10 =	sld [smem:$0x3FB4];
	_ =	sdelay $0x3  }
0x33: {  	p0 =	seq.s32 s10, $0x1;
	s10 =	sld [smem:$0x3FB6];
	_ =	sdelay $0x3  }
0x34: {  	[smem:$0x3FB6] =	sst s10  }
0x35: {  	s10 =	sld [smem:$0x3FB5];
	_ =	sdelay $0x3  }
0x36: {  	p1 =	seq.s32 s10, $0x1;
	s10 =	sld [smem:$0x3FB6];
	_ =	sdelay $0x3  }
0x37: {  	[smem:$0x3FB6] =	sst s10  }
0x38: {  	s10 =	sld [smem:$0x3FB7]  }
0x39: {  	_ = 	snop;
	(pc) =	sbr.ind lr, $3  }
0x3a: {  	_ = 	snop  }
0x3b: {  	_ = 	snop  }
0x3c: {  	p2 =	seq.s32 s10, $0x1;
	s10 =	sld [smem:$0x3FB6]  }
0x3d: {  	_ =	shalt  }
0x3e: {  	_ =	shalt  }
0x3f: {  	_ =	shalt  }
0x40: {  	_ =	shalt  }
0x41: {  	_ =	shalt  }
0x42: {  	_ =	shalt  }
0x43: {  	_ =	shalt  }
0x44: {  	_ =	shalt  }
0x45: {  	_ =	shalt  }
0x46: {  	_ =	shalt  }
0x47: {  	_ =	shalt  }
0x48: {  	_ =	shalt  }
0x49: {  	_ =	shalt  }
0x4a: {  	_ =	shalt  }
0x4b: {  	_ =	shalt  }
0x4c: {  	_ =	shalt  }
0x4d: {  	_ =	shalt  }
0x4e: {  	_ =	shalt  }
0x4f: {  	_ =	shalt  }
0x50: {  	_ =	shalt  }
0x51: {  	_ =	shalt  }
0x52: {  	_ =	shalt  }
0x53: {  	_ =	shalt  }
0x54: {  	_ =	shalt  }
0x55: {  	_ =	shalt  }
0x56: {  	_ =	shalt  }
0x57: {  	_ =	shalt  }
0x58: {  	_ =	shalt  }
0x59: {  	_ =	shalt  }
0x5a: {  	_ =	shalt  }
0x5b: {  	_ =	shalt  }
0x5c: {  	_ =	shalt  }
0x5d: {  	_ =	shalt  }
0x5e: {  	_ =	shalt  }
0x5f: {  	_ =	shalt  }
0x60: {  	_ =	shalt  }
0x61: {  	_ =	shalt  }
0x62: {  	_ =	shalt  }
0x63: {  	_ =	shalt  }
0x64: {  	_ =	shalt  }
0x65: {  	_ =	shalt  }
0x66: {  	_ =	shalt  }
0x67: {  	_ =	shalt  }
0x68: {  	_ =	shalt  }
0x69: {  	_ =	shalt  }
0x6a: {  	_ =	shalt  }
0x6b: {  	_ =	shalt  }
0x6c: {  	_ =	shalt  }
0x6d: {  	_ =	shalt  }
0x6e: {  	_ =	shalt  }
0x6f: {  	_ =	shalt  }
0x70: {  	_ =	shalt  }
0x71: {  	_ =	shalt  }
0x72: {  	_ =	shalt  }
0x73: {  	_ =	shalt  }
0x74: {  	_ =	shalt  }
0x75: {  	_ =	shalt  }
0x76: {  	_ =	shalt  }
0x77: {  	_ =	shalt  }
0x78: {  	_ =	shalt  }
0x79: {  	_ =	shalt  }
0x7a: {  	_ =	shalt  }
0x7b: {  	_ =	shalt  }
0x7c: {  	_ =	shalt  }
0x7d: {  	_ =	shalt  }
0x7e: {  	_ =	shalt  }
0x7f: {  	_ =	shalt  }
0x80: {  	_ =	shalt  }
0x81: {  	_ =	shalt  }
0x82: {  	_ =	shalt  }
0x83: {  	_ =	shalt  }
0x84: {  	_ =	shalt  }
0x85: {  	_ =	shalt  }
0x86: {  	_ =	shalt  }
0x87: {  	_ =	shalt  }
.Lfunc_end0:
.L_simem_size_0:
called_computation_lowered:
.L_overlay_start_0:
0x88: {  	s2 =	sld [smem:$0x3FD9]  }
0x89: {  	s3 =	sld [smem:$0x3FFE];
	_ =	sdelay $0x1  }
0x8a: {  	s1 =	srdreg.scid  }
0x8b: {  	s0 =	sand.u32 $0x1, s1  }
0x8c: {  	s18 =	sshll.u32 s0, $0xA;
	s2 =	sadd.s32 s3, s2  }
0x8d: {  	s2 =	sadd.s32 s2, s18  }
0x8e: {  	[smem:$0x3FC2] =	sst s2  }
0x8f: {  	_ = 	snop  }
0x90: {  	s2 =	sld [smem:$0x3FC9]  }
0x91: {  	s19 =	sld [smem:$0x3FC8]  }
0x92: {  	s4 =	sld [smem:$0x3FD0];
	(tm) =	ssettm $0x1  }
0x93: {  	s5 =	sld [smem:$0x3FFB];
	_ =	sdelay $0x3  }
0x94: {  	_ =	strace s5  }
0x95: {  	s5 =	sld [smem:$0x3FFC];
	_ =	sdelay $0x3  }
0x96: {  	_ =	strace s5  }
0x97: {  	s5 =	sld [smem:$0x3FFD];
	_ =	sdelay $0x3  }
0x98: {  	_ =	strace s5  }
0x99: {  	_ =	strace $0x8FFFFFFF  }
0x9a: {  	s20 =	sld [smem:$0x3FDB];
	_ =	sdelay $0x1  }
0x9b: {  	s6 =	simm.s32 $_scs_section_size  }
0x9c: {  	s7 =	simm.s32 $_size__tile_overlayer_lowered;
	s8 =	simm.s32 $_tile_overlayer_lowered  }
0x9d: {  	s23 =	simm.s32 $0x1BFF;
	s22 =	sshll.u32 s8, $0x1;
	s5 =	sadd.s32 s6, s20  }
0x9e: {  	s9 =	simm.s32 $0x0;
	s21 =	sshll.u32 s7, $0x1;
	s7 =	sadd.s32 s22, s5  }
0x9f: {  	[timem:s9], [sflag:s23] =	dma.local [hbm:s7], s21  }
0xa0: {  	_ =	swait.ge [sflag:s23], s21  }
0xa1: {  	s6 =	ssub.s32 $0x0, s21;
	[sflag:s23] =	ssyncset.done $0x0  }
0xa2: {  	[sflag:s23] =	ssyncadd.s32 s6;
	_ =	sdelay $0x1  }
0xa3: {  	s24 =	simm.s32 $0x1B8B  }
0xa4: {  	_ =	swait.ge [sflag:s24], $0x1  }
0xa5: {  	[sflag:s24] =	ssyncset.done $0x0  }
0xa6: {  	s25 =	simm.s32 $0x1B8E;
	[sflag:s24] =	ssyncadd.s32 $0xFFFFFFFF  }
0xa7: {  	s26 =	simm.s32 $execute0_lowered;
	[smem:$0x3FD2] =	sst s25  }
0xa8: {  	s6 =	sshll.u32 s26, $0x1;
	_ =	strace $0x80000046;
	[dreg:$0x1] =	wrdreg $0xFFFFFFFF  }
0xa9: {  	s28 =	simm.s32 $_size_execute0_lowered;
	s5 =	sadd.s32 s5, s6;
	[dreg:$0x0] =	wrdreg $0x0  }
0xaa: {  	s6 =	sshll.u32 s28, $0x1;
	[dreg:$0x2] =	wrdreg s5  }
0xab: {  	[dreg:$0x3] =	wrdreg s6  }
0xac: {  	[dreg:$0x4] =	wrdreg $0xC0  }
0xad: {  	_ =	task [dreg:s9], $0x5FFFF  }
0xae: {  	[dreg:$0x1] =	wrdreg $0xFFFFFFFF  }
0xaf: {  	[dreg:$0x0] =	wrdreg $0x60  }
0xb0: {  	[dreg:$0x2] =	wrdreg s19  }
0xb1: {  	[dreg:$0x3] =	wrdreg s2  }
0xb2: {  	[dreg:$0x4] =	wrdreg s4  }
0xb3: {  	[dreg:$0x5] =	wrdreg $0x9  }
0xb4: {  	_ =	task.clear_ibuf [dreg:s9], $0x6FFFF;
	_ =	strace $0x90000046  }
0xb5: {  	s29 =	simm.s32 $0x9;
	_ =	strace $0x80000048  }
0xb6: {  	_ =	swait.ge [sflag:s29], $0x1  }
0xb7: {  	[sflag:s29] =	ssyncadd.s32 $0xFFFFFFFF  }
0xb8: {  	_ =	strace $0x90000048  }
0xb9: {  	_ =	sfence  }
0xba: {  	s30 =	sld [smem:$0x0];
	_ =	sdelay $0x2  }
0xbb: {  	s31 =	sshll.u32 s1, $0xD;
	s1 =	sshrl.u32 s1, $0x2  }
0xbc: {  	s3 =	sand.u32 $0x4000, s31;
	s1 =	sadd.s32 s1, s30  }
0xbd: {  	s0 =	sor.u32 s3, s0;
	s1 =	sshll.u32 s1, $0x11  }
0xbe: {  	s0 =	sor.u32 s1, s0  }
0xbf: {  	s0 =	sadd.s32 $0x8F2B, s0  }
0xc0: {  	[sflag:s0] =	ssyncadd.remote.s32 $0x1  }
0xc1: {  	_ =	sfence.sel $0xFFFF  }
0xc2: {  	[dreg:$0x0] =	wrdreg $0xFFFFFFFF;
	(pc) =	sbr.abs _section_cstart, $3  }
0xc3: {  	[dreg:$0x1] =	wrdreg $0xFFFFFFFF  }
0xc4: {  	_ =	task.clear_ibuf [dreg:s9], $0x2FFFF;
	_ =	strace $0x9FFFFFFF  }
0xc5: {  	(tm) =	ssettm $0x7FFFFFFF  }
tec
execute0_lowered:
.L_overlay_start_1:
0x0: {  	(tag) =	ssettag $0x1  }
0x1: {  	s6 =	rddreg [dreg:$0x0]  }
0x2: {  	s1 =	rddreg [dreg:$0x1]  }
0x3: {  	s2 =	rddreg [dreg:$0x2]  }
0x4: {  	s0 =	rddreg [dreg:$0x3];
	s4 =	simm.s32 $0x0;
	s5 =	srdreg.scid  }
0x5: {  	s3 =	stileid.u32;
	s12 =	simm.s32 $0x3;
	s13 =	simm.s32 $0x1  }
0x6: {  	s14 =	simm.s32 $0x1C700;
	s15 =	simm.s32 $0x1CF00;
	s16 =	simm.s32 $0x2  }
0x7: {  	s17 =	simm.s32 $0x0;
	[smem:$0x7FF] =	sst s4;
	s5 =	sand.u32 $0x1, s5  }
0x8: {  	s7 =	sshrl.u32 s3, $0x2;
	s8 =	sshll.u32 s3, $0x8;
	_ =	strace $0x80000047  }
0x9: {  	s9 =	sshll.u32 s5, $0x7;
	s8 =	sand.u32 $0x300, s8;
	s10 =	smul.u32 $0xC3800, s7  }
0xa: {  	s11 =	ssub.s32 $0x2, s5;
	s7 =	sshll.u32 s7, $0x11;
	s26 =	sor.u32 s9, s8  }
0xb: {  	s28 =	sshrl.u32 s11, $0x1;
	s9 =	sor.u32 s10, s26;
	s5 =	sor.u32 s26, s7  }
0xc: {  	s29 =	ssub.s32 s11, s28;
	s10 =	simm.s32 $0x400;
	s11 =	simm.s32 $0x18700  }
0xd: {  	s30 =	sshrl.u32 s9, $0x3;
	s31 =	sshrl.u32 s5, $0x3;
	s7 =	smax.u32 s29, $0x1  }
0xe: {  	s9 =	simm.s32 $0x80;
	s6 =	sadd.s32 s6, s30;
	s8 =	sadd.s32 s2, s31  }
.LBB2_1:
0xf: {  	[tilespmem:s4], [sflag:$0x1] =	stream.strided.gather [hbm4b:s6+s9], $0x18700, s10, s9, $0x38;
	[tilespmem:$0x1D700] =	vst v63  }
0x10: {  	_ = 	snop  }
0x11: {  	[tilespmem:s11], [sflag:$0x3] =	stream.linear.gather [hbm4b:s1+s4], $0x4000, $0x38;
	[tilespmem:$0x1D700] =	vst v63  }
0x12: {  	_ =	swait.ge [sflag:s12], $0x4000  }
0x13: {  	[sflag:s12] =	ssyncset.done $0x0  }
0x14: {  	[sflag:s12] =	ssyncadd.s32 $0xFFFFC000  }
0x15: {  	_ =	swait.ge [sflag:s13], $0x18700  }
0x16: {  	s18 =	simm.s32 $0x18780;
	[sflag:s13] =	ssyncset.done $0x0  }
0x17: {  	s19 =	simm.s32 $0x18FF0;
	s20 =	simm.s32 $0x0;
	[sflag:s13] =	ssyncadd.s32 $0xFFFE7900  }
.LBB2_2:
0x18: {  	v0 =	vld [tilespmem:s18+$0x70]  }
0x19: {  	v1 =	vld [tilespmem:s18+$0xFFFFFF90]  }
0x1a: {  	v2 =	vld [tilespmem:s18+$0xFFFFFFA0]  }
0x1b: {  	v3 =	vld [tilespmem:s18+$0xFFFFFFB0]  }
0x1c: {  	v4 =	vld [tilespmem:s18+$0xFFFFFFC0]  }
0x1d: {  	v5 =	vld [tilespmem:s18+$0xFFFFFFD0]  }
0x1e: {  	v6 =	vld [tilespmem:s18+$0xFFFFFFE0]  }
0x1f: {  	v7 =	vld [tilespmem:s18+$0xFFFFFFF0]  }
0x20: {  	v8 =	vld [tilespmem:s18+$0x0]  }
0x21: {  	v9 =	vld [tilespmem:s18+$0x10]  }
0x22: {  	v10 =	vld [tilespmem:s18+$0x20]  }
0x23: {  	v11 =	vld [tilespmem:s18+$0x30]  }
0x24: {  	v12 =	vld [tilespmem:s18+$0x40]  }
0x25: {  	v13 =	vld [tilespmem:s18+$0x50]  }
0x26: {  	v14 =	vld [tilespmem:s18+$0x60]  }
0x27: {  	v15 =	vld [tilespmem:s18+$0xFFFFFF80]  }
0x28: {  	v0 =	vld.idx.msk [tilespmem:v0+s4+$0x0], $0xffff  }
0x29: {  	v1 =	vld.idx.msk [tilespmem:v1+s4+$0x0], $0xffff  }
0x2a: {  	v2 =	vld.idx.msk [tilespmem:v2+s4+$0x0], $0xffff  }
0x2b: {  	v3 =	vld.idx.msk [tilespmem:v3+s4+$0x0], $0xffff  }
0x2c: {  	v4 =	vld.idx.msk [tilespmem:v4+s4+$0x0], $0xffff  }
0x2d: {  	s22 =	simm.s32 $0x1C780;
	v5 =	vld.idx.msk [tilespmem:v5+s4+$0x0], $0xffff  }
0x2e: {  	v6 =	vld.idx.msk [tilespmem:v6+s4+$0x0], $0xffff;
	[tilespmem:s22+$0x70] =	vst v0  }
0x2f: {  	v7 =	vld.idx.msk [tilespmem:v7+s4+$0x0], $0xffff;
	[tilespmem:s22+$0xFFFFFF90] =	vst v1  }
0x30: {  	v15 =	vld.idx.msk [tilespmem:v15+s4+$0x0], $0xffff;
	[tilespmem:s22+$0xFFFFFFA0] =	vst v2  }
0x31: {  	v8 =	vld.idx.msk [tilespmem:v8+s4+$0x0], $0xffff;
	[tilespmem:s22+$0xFFFFFFB0] =	vst v3  }
0x32: {  	[tilespmem:s22+$0xFFFFFFC0] =	vst v4;
	v0 =	vld.idx.msk [tilespmem:v9+s4+$0x0], $0xffff  }
0x33: {  	[tilespmem:s22+$0xFFFFFFD0] =	vst v5;
	v1 =	vld.idx.msk [tilespmem:v10+s4+$0x0], $0xffff  }
0x34: {  	[tilespmem:s22+$0xFFFFFFE0] =	vst v6;
	v2 =	vld.idx.msk [tilespmem:v11+s4+$0x0], $0xffff  }
0x35: {  	[tilespmem:s22+$0xFFFFFFF0] =	vst v7;
	v3 =	vld.idx.msk [tilespmem:v12+s4+$0x0], $0xffff  }
0x36: {  	[tilespmem:s22+$0xFFFFFF80] =	vst v15;
	v4 =	vld.idx.msk [tilespmem:v13+s4+$0x0], $0xffff  }
0x37: {  	s21 =	sshll.u32 s20, $0xC;
	s23 =	simm.s32 $0x0;
	s24 =	sadd.s32 $0x100, s18;
	[tilespmem:s22+$0x0] =	vst v8;
	v5 =	vld.idx.msk [tilespmem:v14+s4+$0x0], $0xffff  }
.LBB2_3:
0x38: {  	v6 =	vld [tilespmem:s24+$0x70];
	s23 =	sadd.s32 $0x10, s23;
	[tilespmem:s22+$0x10] =	vst v0  }
0x39: {  	v0 =	vld [tilespmem:s24+$0xFFFFFF90];
	p0 =	slt.u32 s23, $0x70;
	[tilespmem:s22+$0x20] =	vst v1  }
0x3a: {  	v1 =	vld [tilespmem:s24+$0xFFFFFFA0];
	[tilespmem:s22+$0x30] =	vst v2  }
0x3b: {  	v2 =	vld [tilespmem:s24+$0xFFFFFFB0];
	[tilespmem:s22+$0x40] =	vst v3  }
0x3c: {  	v3 =	vld [tilespmem:s24+$0xFFFFFFC0];
	[tilespmem:s22+$0x50] =	vst v4  }
0x3d: {  	v4 =	vld [tilespmem:s24+$0xFFFFFFD0];
	[tilespmem:s22+$0x60] =	vst v5  }
0x3e: {  	v5 =	vld [tilespmem:s24+$0xFFFFFFE0]  }
0x3f: {  	v7 =	vld [tilespmem:s24+$0xFFFFFFF0]  }
0x40: {  	v6 =	vld.idx.msk [tilespmem:v6+s4+$0x0], $0xffff  }
0x41: {  	v8 =	vld [tilespmem:s24+$0x0]  }
0x42: {  	v9 =	vld [tilespmem:s24+$0x10]  }
0x43: {  	v10 =	vld [tilespmem:s24+$0x20]  }
0x44: {  	v11 =	vld [tilespmem:s24+$0x30]  }
0x45: {  	s22 =	sadd.s32 $0x100, s22;
	v12 =	vld [tilespmem:s24+$0x40]  }
0x46: {  	v13 =	vld [tilespmem:s24+$0x50];
	[tilespmem:s22+$0x70] =	vst v6  }
0x47: {  	v6 =	vld [tilespmem:s24+$0x60]  }
0x48: {  	v14 =	vld [tilespmem:s24+$0xFFFFFF80]  }
0x49: {  	v0 =	vld.idx.msk [tilespmem:v0+s4+$0x0], $0xffff  }
0x4a: {  	v1 =	vld.idx.msk [tilespmem:v1+s4+$0x0], $0xffff  }
0x4b: {  	v2 =	vld.idx.msk [tilespmem:v2+s4+$0x0], $0xffff  }
0x4c: {  	v3 =	vld.idx.msk [tilespmem:v3+s4+$0x0], $0xffff  }
0x4d: {  	v4 =	vld.idx.msk [tilespmem:v4+s4+$0x0], $0xffff  }
0x4e: {  	v5 =	vld.idx.msk [tilespmem:v5+s4+$0x0], $0xffff  }
0x4f: {  	[tilespmem:s22+$0xFFFFFF90] =	vst v0;
	v7 =	vld.idx.msk [tilespmem:v7+s4+$0x0], $0xffff  }
0x50: {  	v14 =	vld.idx.msk [tilespmem:v14+s4+$0x0], $0xffff;
	[tilespmem:s22+$0xFFFFFFA0] =	vst v1  }
0x51: {  	[tilespmem:s22+$0xFFFFFFB0] =	vst v2;
	v8 =	vld.idx.msk [tilespmem:v8+s4+$0x0], $0xffff  }
0x52: {  	[tilespmem:s22+$0xFFFFFFC0] =	vst v3;
	v0 =	vld.idx.msk [tilespmem:v9+s4+$0x0], $0xffff  }
.Ltmp0:
0x53: {  	[tilespmem:s22+$0xFFFFFFD0] =	vst v4;
	v1 =	vld.idx.msk [tilespmem:v10+s4+$0x0], $0xffff;
	(pc) =	sbr.rel @p0 .LBB2_3-.Ltmp0, $4  }
0x54: {  	[tilespmem:s22+$0xFFFFFFE0] =	vst v5;
	v2 =	vld.idx.msk [tilespmem:v11+s4+$0x0], $0xffff  }
0x55: {  	[tilespmem:s22+$0xFFFFFFF0] =	vst v7;
	v3 =	vld.idx.msk [tilespmem:v12+s4+$0x0], $0xffff  }
0x56: {  	[tilespmem:s22+$0xFFFFFF80] =	vst v14;
	v4 =	vld.idx.msk [tilespmem:v13+s4+$0x0], $0xffff  }
0x57: {  	s24 =	sadd.s32 $0x100, s24;
	[tilespmem:s22+$0x0] =	vst v8;
	v5 =	vld.idx.msk [tilespmem:v6+s4+$0x0], $0xffff  }
0x58: {  	[tilespmem:s22+$0x10] =	vst v0  }
0x59: {  	[tilespmem:s22+$0x20] =	vst v1  }
0x5a: {  	[tilespmem:s22+$0x30] =	vst v2  }
0x5b: {  	[tilespmem:s22+$0x40] =	vst v3  }
0x5c: {  	p0 =	seq.s32 s20, $0x0;
	[tilespmem:s22+$0x50] =	vst v4  }
0x5d: {  	s23 =	sshll.u32 s20, $0xF;
	[tilespmem:s22+$0x60] =	vst v5;
	s22 =	simm.s32 @!p0 $0x2  }
0x5e: {  	s23 =	sadd.s32 s5, s23;
	_ =	swait.ge @!p0 [sflag:s22], $0x800  }
0x5f: {  	s23 =	sshrl.u32 s23, $0x3;
	[sflag:s22] =	ssyncset.done @!p0 $0x0  }
0x60: {  	s31 =	sadd.s32 s2, s23;
	[sflag:s22] =	ssyncadd.s32 @!p0 $0xFFFFF800  }
0x61: {  	[hbm4b:s31+s9] =	stream.strided.scatter [tilespmem:s14], [sflag:$0x2], $0x800, s10, s9, $0x38;
	[tilespmem:$0x1D700] =	vst v63  }
0x62: {  	v0 =	vld [tilespmem:s19+$0x0]  }
0x63: {  	v1 =	vld [tilespmem:s19+$0xFFFFFF20]  }
0x64: {  	v2 =	vld [tilespmem:s19+$0xFFFFFF30]  }
0x65: {  	v3 =	vld [tilespmem:s19+$0xFFFFFF40]  }
0x66: {  	v4 =	vld [tilespmem:s19+$0xFFFFFF50]  }
0x67: {  	v5 =	vld [tilespmem:s19+$0xFFFFFF60]  }
0x68: {  	v6 =	vld [tilespmem:s19+$0xFFFFFF70]  }
0x69: {  	v7 =	vld [tilespmem:s19+$0xFFFFFF80]  }
0x6a: {  	v8 =	vld [tilespmem:s19+$0xFFFFFF90]  }
0x6b: {  	v9 =	vld [tilespmem:s19+$0xFFFFFFA0]  }
0x6c: {  	v10 =	vld [tilespmem:s19+$0xFFFFFFB0]  }
0x6d: {  	v11 =	vld [tilespmem:s19+$0xFFFFFFC0]  }
0x6e: {  	v12 =	vld [tilespmem:s19+$0xFFFFFFD0]  }
0x6f: {  	v13 =	vld [tilespmem:s19+$0xFFFFFFE0]  }
0x70: {  	v14 =	vld [tilespmem:s19+$0xFFFFFFF0]  }
0x71: {  	v15 =	vld [tilespmem:s19+$0xFFFFFF10]  }
0x72: {  	v0 =	vld.idx.msk [tilespmem:v0+s4+$0x0], $0xffff  }
0x73: {  	v1 =	vld.idx.msk [tilespmem:v1+s4+$0x0], $0xffff  }
0x74: {  	v2 =	vld.idx.msk [tilespmem:v2+s4+$0x0], $0xffff  }
0x75: {  	v3 =	vld.idx.msk [tilespmem:v3+s4+$0x0], $0xffff  }
0x76: {  	v4 =	vld.idx.msk [tilespmem:v4+s4+$0x0], $0xffff  }
0x77: {  	s22 =	simm.s32 $0x1CF80;
	v5 =	vld.idx.msk [tilespmem:v5+s4+$0x0], $0xffff  }
0x78: {  	v6 =	vld.idx.msk [tilespmem:v6+s4+$0x0], $0xffff;
	[tilespmem:s22+$0x70] =	vst v0  }
0x79: {  	v7 =	vld.idx.msk [tilespmem:v7+s4+$0x0], $0xffff;
	[tilespmem:s22+$0xFFFFFF90] =	vst v1  }
0x7a: {  	v15 =	vld.idx.msk [tilespmem:v15+s4+$0x0], $0xffff;
	[tilespmem:s22+$0xFFFFFFA0] =	vst v2  }
0x7b: {  	v8 =	vld.idx.msk [tilespmem:v8+s4+$0x0], $0xffff;
	[tilespmem:s22+$0xFFFFFFB0] =	vst v3  }
0x7c: {  	[tilespmem:s22+$0xFFFFFFC0] =	vst v4;
	v0 =	vld.idx.msk [tilespmem:v9+s4+$0x0], $0xffff  }
0x7d: {  	[tilespmem:s22+$0xFFFFFFD0] =	vst v5;
	v1 =	vld.idx.msk [tilespmem:v10+s4+$0x0], $0xffff  }
0x7e: {  	[tilespmem:s22+$0xFFFFFFE0] =	vst v6;
	v2 =	vld.idx.msk [tilespmem:v11+s4+$0x0], $0xffff  }
0x7f: {  	[tilespmem:s22+$0xFFFFFFF0] =	vst v7;
	v3 =	vld.idx.msk [tilespmem:v12+s4+$0x0], $0xffff  }
0x80: {  	[tilespmem:s22+$0xFFFFFF80] =	vst v15;
	v4 =	vld.idx.msk [tilespmem:v13+s4+$0x0], $0xffff  }
0x81: {  	s21 =	sor.u32 $0x800, s21;
	s24 =	sadd.s32 $0x100, s19;
	s23 =	simm.s32 $0x0;
	[tilespmem:s22+$0x0] =	vst v8;
	v5 =	vld.idx.msk [tilespmem:v14+s4+$0x0], $0xffff  }
.LBB2_5:
0x82: {  	v6 =	vld [tilespmem:s24+$0x0];
	s23 =	sadd.s32 $0x10, s23;
	[tilespmem:s22+$0x10] =	vst v0  }
0x83: {  	v0 =	vld [tilespmem:s24+$0xFFFFFF20];
	p1 =	slt.u32 s23, $0x70;
	[tilespmem:s22+$0x20] =	vst v1  }
0x84: {  	v1 =	vld [tilespmem:s24+$0xFFFFFF30];
	[tilespmem:s22+$0x30] =	vst v2  }
0x85: {  	v2 =	vld [tilespmem:s24+$0xFFFFFF40];
	[tilespmem:s22+$0x40] =	vst v3  }
0x86: {  	v3 =	vld [tilespmem:s24+$0xFFFFFF50];
	[tilespmem:s22+$0x50] =	vst v4  }
0x87: {  	v4 =	vld [tilespmem:s24+$0xFFFFFF60];
	[tilespmem:s22+$0x60] =	vst v5  }
0x88: {  	v5 =	vld [tilespmem:s24+$0xFFFFFF70]  }
0x89: {  	v7 =	vld [tilespmem:s24+$0xFFFFFF80]  }
0x8a: {  	v6 =	vld.idx.msk [tilespmem:v6+s4+$0x0], $0xffff  }
0x8b: {  	v8 =	vld [tilespmem:s24+$0xFFFFFF90]  }
0x8c: {  	v9 =	vld [tilespmem:s24+$0xFFFFFFA0]  }
0x8d: {  	v10 =	vld [tilespmem:s24+$0xFFFFFFB0]  }
0x8e: {  	v11 =	vld [tilespmem:s24+$0xFFFFFFC0]  }
0x8f: {  	s22 =	sadd.s32 $0x100, s22;
	v12 =	vld [tilespmem:s24+$0xFFFFFFD0]  }
0x90: {  	v13 =	vld [tilespmem:s24+$0xFFFFFFE0];
	[tilespmem:s22+$0x70] =	vst v6  }
0x91: {  	v6 =	vld [tilespmem:s24+$0xFFFFFFF0]  }
0x92: {  	v14 =	vld [tilespmem:s24+$0xFFFFFF10]  }
0x93: {  	v0 =	vld.idx.msk [tilespmem:v0+s4+$0x0], $0xffff  }
0x94: {  	v1 =	vld.idx.msk [tilespmem:v1+s4+$0x0], $0xffff  }
0x95: {  	v2 =	vld.idx.msk [tilespmem:v2+s4+$0x0], $0xffff  }
0x96: {  	v3 =	vld.idx.msk [tilespmem:v3+s4+$0x0], $0xffff  }
0x97: {  	v4 =	vld.idx.msk [tilespmem:v4+s4+$0x0], $0xffff  }
0x98: {  	v5 =	vld.idx.msk [tilespmem:v5+s4+$0x0], $0xffff  }
0x99: {  	[tilespmem:s22+$0xFFFFFF90] =	vst v0;
	v7 =	vld.idx.msk [tilespmem:v7+s4+$0x0], $0xffff  }
0x9a: {  	v14 =	vld.idx.msk [tilespmem:v14+s4+$0x0], $0xffff;
	[tilespmem:s22+$0xFFFFFFA0] =	vst v1  }
0x9b: {  	[tilespmem:s22+$0xFFFFFFB0] =	vst v2;
	v8 =	vld.idx.msk [tilespmem:v8+s4+$0x0], $0xffff  }
0x9c: {  	[tilespmem:s22+$0xFFFFFFC0] =	vst v3;
	v0 =	vld.idx.msk [tilespmem:v9+s4+$0x0], $0xffff  }
.Ltmp1:
0x9d: {  	[tilespmem:s22+$0xFFFFFFD0] =	vst v4;
	v1 =	vld.idx.msk [tilespmem:v10+s4+$0x0], $0xffff;
	(pc) =	sbr.rel @p1 .LBB2_5-.Ltmp1, $4  }
0x9e: {  	[tilespmem:s22+$0xFFFFFFE0] =	vst v5;
	v2 =	vld.idx.msk [tilespmem:v11+s4+$0x0], $0xffff  }
0x9f: {  	[tilespmem:s22+$0xFFFFFFF0] =	vst v7;
	v3 =	vld.idx.msk [tilespmem:v12+s4+$0x0], $0xffff  }
0xa0: {  	[tilespmem:s22+$0xFFFFFF80] =	vst v14;
	v4 =	vld.idx.msk [tilespmem:v13+s4+$0x0], $0xffff  }
0xa1: {  	s24 =	sadd.s32 $0x100, s24;
	[tilespmem:s22+$0x0] =	vst v8;
	v5 =	vld.idx.msk [tilespmem:v6+s4+$0x0], $0xffff  }
0xa2: {  	[tilespmem:s22+$0x10] =	vst v0  }
0xa3: {  	[tilespmem:s22+$0x20] =	vst v1  }
0xa4: {  	[tilespmem:s22+$0x30] =	vst v2  }
0xa5: {  	[tilespmem:s22+$0x40] =	vst v3  }
0xa6: {  	[tilespmem:s22+$0x50] =	vst v4  }
0xa7: {  	[tilespmem:s22+$0x60] =	vst v5;
	s22 =	simm.s32 @!p0 $0x2  }
0xa8: {  	_ =	swait.ge @!p0 [sflag:s22], $0x800  }
0xa9: {  	s20 =	sadd.s32 $0x1, s20;
	[sflag:s22] =	ssyncset.done @!p0 $0x0  }
0xaa: {  	[sflag:s22] =	ssyncadd.s32 @!p0 $0xFFFFF800;
	p0 =	sne.s32 s20, $0x4  }
.Ltmp2:
0xab: {  	_ = 	snop;
	(pc) =	sbr.rel @p0 .LBB2_2-.Ltmp2, $3  }
0xac: {  	_ =	sdelay $0x1  }
0xad: {  	s21 =	sadd.s32 s8, s21;
	s18 =	sadd.s32 $0x1000, s18;
	s19 =	sadd.s32 $0x1000, s19  }
0xae: {  	[hbm4b:s21+s9] =	stream.strided.scatter [tilespmem:s15], [sflag:$0x2], $0x800, s10, s9, $0x38;
	[tilespmem:$0x1D700] =	vst v63  }
0xaf: {  	s17 =	sadd.s32 $0x1, s17  }
0xb0: {  	_ =	swait.ge [sflag:s16], $0x800;
	p0 =	sne.s32 s17, s7  }
.Ltmp3:
0xb1: {  	[sflag:s16] =	ssyncset.done $0x0;
	(pc) =	sbr.rel @p0 .LBB2_1-.Ltmp3, $4  }
0xb2: {  	[sflag:s16] =	ssyncadd.s32 $0xFFFFF800  }
0xb3: {  	_ =	swait.ge [sflag:s16], $0x800  }
0xb4: {  	[sflag:s16] =	ssyncset.done $0x0  }
0xb5: {  	[sflag:s16] =	ssyncadd.s32 $0xFFFFF800  }
0xb6: {  	_ =	sfence.sel $0x180000  }
0xb7: {  	[bflag:$0x0] =	sbarrier.arrive $0xFFFF  }
0xb8: {  	p0 =	sne.s32 s3, $0x0;
	_ =	strace $0x90000047  }
0xb9: {  	s0 =	sadd.s32 @!p0 $0x100000, s0;
	[bflag:$0x2] =	sbarrier.arrive $0xFFFF  }
0xba: {  	[sflag:s0] =	ssyncadd.tile.s32 @!p0 $0x1;
	_ =	shalt  }
.Lfunc_end2:
_tile_overlayer_lowered:
.L_overlay_start_2:
0xbb: {  	(tag) =	ssettag $0x2  }
0xbc: {  	s0 =	rddreg [dreg:$0x0];
	s2 =	stileid.u32  }
0xbd: {  	s1 =	rddreg [dreg:$0x1];
	p0 =	sne.s32 s2, $0x0  }
0xbe: {  	s3 =	rddreg [dreg:$0x2];
	[bflag:$0x3] =	sbarrier.arrive $0xFFFF;
	s2 =	simm.s32 @!p0 $0x1C03  }
0xbf: {  	[timem:s3], [sflag:s2] =	dma.local @!p0 [hbm:s0], s1  }
0xc0: {  	s0 =	simm.s32 @!p0 $0x3  }
0xc1: {  	_ =	swait.ge @!p0 [sflag:s0], s1  }
0xc2: {  	s1 =	ssub.s32 @!p0 $0x0, s1;
	[sflag:s0] =	ssyncset.done @!p0 $0x0  }
0xc3: {  	[sflag:s0] =	ssyncadd.s32 @!p0 s1  }
0xc4: {  	[bflag:$0x3] =	sbarrier.arrive $0xFFFF  }
0xc5: {  	_ =	shalt  }

</sc_bundles>
